<compile_context>
chip_gen: v7x
topology: tpu7x:2x2x1
jax: 0.10.2.dev20260603
libtpu: 0.0.44.dev20260713+nightly
codegen_flags: <defaults>
</compile_context>

<pallas_src>
import functools

import jax
import jax.numpy as jnp
from jax import lax
from jax.experimental import pallas as pl
from jax.experimental.pallas import tpu as pltpu
from jax.experimental.pallas import tpu_sc as plsc

N_EDGES = 320000
D = 128
N_SEG = 10000
N_SEG_PAD = 10240
CHUNK = 80
NC = 2
NS = 16
NW = NC * NS
EDGES_PER_W = N_EDGES // NW
ITERS = EDGES_PER_W // CHUNK
ROWS_PER_SUB = N_SEG_PAD // NS


def _sc_partial_sums(x, idx, zeros):
    mesh = plsc.VectorSubcoreMesh(core_axis_name="c", subcore_axis_name="s")

    @functools.partial(
        pl.kernel,
        mesh=mesh,
        out_type=jax.ShapeDtypeStruct((NC, N_SEG_PAD, D), jnp.float32),
        scratch_types=[
            pltpu.VMEM((CHUNK, D), jnp.float32),
            pltpu.VMEM((CHUNK, D), jnp.float32),
            pltpu.VMEM((ITERS, CHUNK), jnp.int32),
            pltpu.VMEM_SHARED((N_SEG_PAD, D), jnp.float32),
            pltpu.SemaphoreType.DMA,
            pltpu.SemaphoreType.DMA,
        ],
    )
    def k(x_hbm, idx_hbm, z_hbm, out_hbm, xbuf0, xbuf1, ibuf, acc, sem0, sem1):
        cid = lax.axis_index("c")
        sid = lax.axis_index("s")
        wid = sid * NC + cid
        base = wid * EDGES_PER_W
        pltpu.sync_copy(idx_hbm.at[wid], ibuf)
        pltpu.sync_copy(
            z_hbm.at[pl.ds(sid * ROWS_PER_SUB, ROWS_PER_SUB)],
            acc.at[pl.ds(sid * ROWS_PER_SUB, ROWS_PER_SUB)],
        )
        plsc.subcore_barrier()

        def load(i, buf, sem):
            return pltpu.async_copy(x_hbm.at[pl.ds(base + i * CHUNK, CHUNK)], buf, sem)

        load(0, xbuf0, sem0)

        def body(g, carry):
            c = 2 * g
            load(c + 1, xbuf1, sem1)
            pltpu.make_async_copy(x_hbm.at[pl.ds(base + c * CHUNK, CHUNK)], xbuf0, sem0).wait()
            pltpu.sync_copy(xbuf0, acc.at[ibuf.at[c]], add=True)
            load(c + 2, xbuf0, sem0)
            pltpu.make_async_copy(x_hbm.at[pl.ds(base + (c + 1) * CHUNK, CHUNK)], xbuf1, sem1).wait()
            pltpu.sync_copy(xbuf1, acc.at[ibuf.at[c + 1]], add=True)
            return carry

        lax.fori_loop(0, (ITERS - 1) // 2, body, 0)
        pltpu.make_async_copy(
            x_hbm.at[pl.ds(base + (ITERS - 1) * CHUNK, CHUNK)], xbuf0, sem0
        ).wait()
        pltpu.sync_copy(xbuf0, acc.at[ibuf.at[ITERS - 1]], add=True)
        plsc.subcore_barrier()
        pltpu.sync_copy(
            acc.at[pl.ds(sid * ROWS_PER_SUB, ROWS_PER_SUB)],
            out_hbm.at[cid, pl.ds(sid * ROWS_PER_SUB, ROWS_PER_SUB)],
        )

    return k(x, idx, zeros)


def _tc_add(a, b):
    def body(a_ref, b_ref, o_ref):
        o_ref[...] = a_ref[...] + b_ref[...]

    return pl.pallas_call(
        body,
        grid=(10,),
        in_specs=[
            pl.BlockSpec((1000, D), lambda i: (i, 0)),
            pl.BlockSpec((1000, D), lambda i: (i, 0)),
        ],
        out_specs=pl.BlockSpec((1000, D), lambda i: (i, 0)),
        out_shape=jax.ShapeDtypeStruct((N_SEG, D), jnp.float32),
    )(a, b)


def kernel(x, index):
    idx = index.astype(jnp.int32).reshape(NW, ITERS, CHUNK)
    zeros = jnp.zeros((N_SEG_PAD, D), jnp.float32)
    parts = _sc_partial_sums(x, idx, zeros)
    return _tc_add(parts[0], parts[1])

# --- scband reference (transcript-rebuilt; emitter-appended) ---
"""Pipeline reference for scband-segment-sum-20272245637565 (READ-ONLY COPY).

The authoritative reference and input builder live on the scoring server;
editing this copy changes nothing except your own understanding.
"""

import jax, jax.numpy as jnp
import numpy as np

N_EDGES = 320000
D_FEAT = 128
N_NODES = 10000


def setup_inputs(seed: int = 0) -> dict:
    key = jax.random.key(seed)
    kx, ki = jax.random.split(key)
    x = jax.random.normal(kx, (N_EDGES, D_FEAT), dtype=jnp.float32)
    index = jnp.sort(jax.random.randint(ki, (N_EDGES,), 0, N_NODES, dtype=jnp.int64))
    return {"x": x, "index": index}


def reference(x, index):
    # tf.math.segment_sum(x, tf.reshape(index, [-1]))
    # TF output has max(index)+1 rows; we use a static num_segments=N_NODES for jit-ability.
    seg = jnp.reshape(index, (-1,))
    return jax.ops.segment_sum(x, seg, num_segments=N_NODES)

if __name__ == "__main__":
    import jax
    _d = setup_inputs()
    print(jax.jit(kernel)(*tuple(_d.values())))

</pallas_src>

<mosaic_0001>
#map = affine_map<(d0, d1) -> (0, 0)>
#map1 = affine_map<(d0, d1) -> (0, 0, 0)>
module attributes {stable_mosaic.version = 14 : i64} {
  func.func @k(%arg0: i32, %arg1: i32, %arg2: memref<320000x128xf32, #tpu.memory_space<hbm>>, %arg3: memref<32x125x80xi32, #tpu.memory_space<hbm>>, %arg4: memref<10240x128xf32, #tpu.memory_space<hbm>>, %arg5: memref<2x10240x128xf32, #tpu.memory_space<hbm>>, %arg6: memref<80x128xf32, #tpu.memory_space<vmem>>, %arg7: memref<80x128xf32, #tpu.memory_space<vmem>>, %arg8: memref<125x80xi32, #tpu.memory_space<vmem>>, %arg9: memref<10240x128xf32, #tpu.memory_space<vmem_shared>>, %arg10: memref<!tpu.dma_semaphore, #tpu.memory_space<semaphore_mem>>, %arg11: memref<!tpu.dma_semaphore, #tpu.memory_space<semaphore_mem>>) attributes {dimension_semantics = [#tpu.dimension_semantics<core_parallel>, #tpu.dimension_semantics<subcore_parallel>], iteration_bounds = array<i64: 2, 16>, scalar_prefetch = 0 : i64, scratch_operands = 6 : i64, tpu.core_type = #tpu.core_type<sc_vector_subcore>, window_params = [{transform_indices = #map}, {transform_indices = #map1}, {transform_indices = #map}, {transform_indices = #map1}]} {
    %mul3A = arith.constant 2 : i32
    %mul3A_0 = arith.muli %arg1, %mul3A : i32
    %add3A = arith.addi %mul3A_0, %arg0 : i32
    %mul3A_1 = arith.constant 10000 : i32
    %mul3A_2 = arith.muli %add3A, %mul3A_1 : i32
    "tpu.region"() ({
      %run_scoped3A_27 = tpu.sem_alloc : memref<!tpu.dma_semaphore, #tpu.memory_space<semaphore_mem>>
      %dma_start3A_28 = arith.constant 0 : i32
      %dma_start3A_29 = arith.constant 0 : i32
      %dma_start3A_30 = tpu.memref_slice %arg3[%add3A, %dma_start3A_28, %dma_start3A_29] : memref<32x125x80xi32, #tpu.memory_space<hbm>> -> memref<1x125x80xi32, #tpu.memory_space<hbm>>
      %dma_start3A_31 = tpu.memref_squeeze %dma_start3A_30 : memref<1x125x80xi32, #tpu.memory_space<hbm>> -> memref<125x80xi32, #tpu.memory_space<hbm>>
      %dma_start3A_32 = arith.constant 0 : i32
      %dma_start3A_33 = arith.constant 0 : i32
      %dma_start3A_34 = tpu.memref_slice %arg3[%add3A, %dma_start3A_32, %dma_start3A_33] : memref<32x125x80xi32, #tpu.memory_space<hbm>> -> memref<1x125x80xi32, #tpu.memory_space<hbm>>
      %dma_start3A_35 = tpu.memref_squeeze %dma_start3A_34 : memref<1x125x80xi32, #tpu.memory_space<hbm>> -> memref<125x80xi32, #tpu.memory_space<hbm>>
      tpu.enqueue_dma source(%dma_start3A_35 : memref<125x80xi32, #tpu.memory_space<hbm>>) target(%arg8 : memref<125x80xi32, #tpu.memory_space<vmem>>) target_semaphore(%run_scoped3A_27 : memref<!tpu.dma_semaphore, #tpu.memory_space<semaphore_mem>>)
      %dma_wait3A_36 = arith.constant 0 : i32
      %dma_wait3A_37 = arith.constant 0 : i32
      %dma_wait3A_38 = tpu.memref_slice %arg3[%add3A, %dma_wait3A_36, %dma_wait3A_37] : memref<32x125x80xi32, #tpu.memory_space<hbm>> -> memref<1x125x80xi32, #tpu.memory_space<hbm>>
      %dma_wait3A_39 = tpu.memref_squeeze %dma_wait3A_38 : memref<1x125x80xi32, #tpu.memory_space<hbm>> -> memref<125x80xi32, #tpu.memory_space<hbm>>
      %dma_wait3A_40 = arith.constant 0 : i32
      %dma_wait3A_41 = arith.constant 0 : i32
      %dma_wait3A_42 = tpu.memref_slice %arg3[%add3A, %dma_wait3A_40, %dma_wait3A_41] : memref<32x125x80xi32, #tpu.memory_space<hbm>> -> memref<1x125x80xi32, #tpu.memory_space<hbm>>
      %dma_wait3A_43 = tpu.memref_squeeze %dma_wait3A_42 : memref<1x125x80xi32, #tpu.memory_space<hbm>> -> memref<125x80xi32, #tpu.memory_space<hbm>>
      tpu.wait_dma2 semaphore(%run_scoped3A_27 : memref<!tpu.dma_semaphore, #tpu.memory_space<semaphore_mem>>) src(%dma_wait3A_43 : memref<125x80xi32, #tpu.memory_space<hbm>>) dst(%arg8 : memref<125x80xi32, #tpu.memory_space<vmem>>)
      tpu.yield
    }) : () -> ()
    %mul3A_3 = arith.constant 640 : i32
    %mul3A_4 = arith.muli %arg1, %mul3A_3 : i32
    %mul3A_5 = arith.constant 640 : i32
    %mul3A_6 = arith.muli %arg1, %mul3A_5 : i32
    "tpu.region"() ({
      %run_scoped3A_27 = tpu.sem_alloc : memref<!tpu.dma_semaphore, #tpu.memory_space<semaphore_mem>>
      %dma_start3A_28 = arith.constant 0 : i32
      %dma_start3A_29 = tpu.memref_slice %arg9[%mul3A_6, %dma_start3A_28] : memref<10240x128xf32, #tpu.memory_space<vmem_shared>> -> memref<640x128xf32, #tpu.memory_space<vmem_shared>>
      %dma_start3A_30 = arith.constant 0 : i32
      %dma_start3A_31 = tpu.memref_slice %arg4[%mul3A_4, %dma_start3A_30] : memref<10240x128xf32, #tpu.memory_space<hbm>> -> memref<640x128xf32, #tpu.memory_space<hbm>>
      tpu.enqueue_dma source(%dma_start3A_31 : memref<640x128xf32, #tpu.memory_space<hbm>>) target(%dma_start3A_29 : memref<640x128xf32, #tpu.memory_space<vmem_shared>>) target_semaphore(%run_scoped3A_27 : memref<!tpu.dma_semaphore, #tpu.memory_space<semaphore_mem>>)
      %dma_wait3A_32 = arith.constant 0 : i32
      %dma_wait3A_33 = tpu.memref_slice %arg9[%mul3A_6, %dma_wait3A_32] : memref<10240x128xf32, #tpu.memory_space<vmem_shared>> -> memref<640x128xf32, #tpu.memory_space<vmem_shared>>
      %dma_wait3A_34 = arith.constant 0 : i32
      %dma_wait3A_35 = tpu.memref_slice %arg4[%mul3A_4, %dma_wait3A_34] : memref<10240x128xf32, #tpu.memory_space<hbm>> -> memref<640x128xf32, #tpu.memory_space<hbm>>
      tpu.wait_dma2 semaphore(%run_scoped3A_27 : memref<!tpu.dma_semaphore, #tpu.memory_space<semaphore_mem>>) src(%dma_wait3A_35 : memref<640x128xf32, #tpu.memory_space<hbm>>) dst(%dma_wait3A_33 : memref<640x128xf32, #tpu.memory_space<vmem_shared>>)
      tpu.yield
    }) : () -> ()
    %barrier3A = arith.constant 0 : index
    tpu.barrier barrier_id(%barrier3A)
    %add3A_7 = arith.constant 0 : i32
    %add3A_8 = arith.addi %mul3A_2, %add3A_7 : i32
    %dma_start3A = arith.constant 0 : i32
    %dma_start3A_9 = tpu.memref_slice %arg2[%add3A_8, %dma_start3A] : memref<320000x128xf32, #tpu.memory_space<hbm>> -> memref<80x128xf32, #tpu.memory_space<hbm>>
    %dma_start3A_10 = arith.constant 0 : i32
    %dma_start3A_11 = tpu.memref_slice %arg2[%add3A_8, %dma_start3A_10] : memref<320000x128xf32, #tpu.memory_space<hbm>> -> memref<80x128xf32, #tpu.memory_space<hbm>>
    tpu.enqueue_dma source(%dma_start3A_11 : memref<80x128xf32, #tpu.memory_space<hbm>>) target(%arg6 : memref<80x128xf32, #tpu.memory_space<vmem>>) target_semaphore(%arg10 : memref<!tpu.dma_semaphore, #tpu.memory_space<semaphore_mem>>)
    %scan3A = arith.constant 0 : i32
    %scan3A_12 = arith.constant 0 : i32
    %scan3A_13 = arith.constant 62 : i32
    %scan3A_14 = arith.addi %scan3A_12, %scan3A_13 : i32
    %scan3A_15 = arith.constant 1 : i32
    scf.for %scan3A_27 = %scan3A_12 to %scan3A_14 step %scan3A_15  : i32 {
      %mul3A_28 = arith.constant 2 : i32
      %mul3A_29 = arith.muli %mul3A_28, %scan3A_27 : i32
      %add3A_30 = arith.constant 1 : i32
      %add3A_31 = arith.addi %mul3A_29, %add3A_30 : i32
      %mul3A_32 = arith.constant 80 : i32
      %mul3A_33 = arith.muli %add3A_31, %mul3A_32 : i32
      %add3A_34 = arith.addi %mul3A_2, %mul3A_33 : i32
      %dma_start3A_35 = arith.constant 0 : i32
      %dma_start3A_36 = tpu.memref_slice %arg2[%add3A_34, %dma_start3A_35] : memref<320000x128xf32, #tpu.memory_space<hbm>> -> memref<80x128xf32, #tpu.memory_space<hbm>>
      %dma_start3A_37 = arith.constant 0 : i32
      %dma_start3A_38 = tpu.memref_slice %arg2[%add3A_34, %dma_start3A_37] : memref<320000x128xf32, #tpu.memory_space<hbm>> -> memref<80x128xf32, #tpu.memory_space<hbm>>
      tpu.enqueue_dma source(%dma_start3A_38 : memref<80x128xf32, #tpu.memory_space<hbm>>) target(%arg7 : memref<80x128xf32, #tpu.memory_space<vmem>>) target_semaphore(%arg11 : memref<!tpu.dma_semaphore, #tpu.memory_space<semaphore_mem>>)
      %mul3A_39 = arith.constant 80 : i32
      %mul3A_40 = arith.muli %mul3A_29, %mul3A_39 : i32
      %add3A_41 = arith.addi %mul3A_2, %mul3A_40 : i32
      %dma_wait3A_42 = arith.constant 0 : i32
      %dma_wait3A_43 = tpu.memref_slice %arg2[%add3A_41, %dma_wait3A_42] : memref<320000x128xf32, #tpu.memory_space<hbm>> -> memref<80x128xf32, #tpu.memory_space<hbm>>
      %dma_wait3A_44 = arith.constant 0 : i32
      %dma_wait3A_45 = tpu.memref_slice %arg2[%add3A_41, %dma_wait3A_44] : memref<320000x128xf32, #tpu.memory_space<hbm>> -> memref<80x128xf32, #tpu.memory_space<hbm>>
      tpu.wait_dma2 semaphore(%arg10 : memref<!tpu.dma_semaphore, #tpu.memory_space<semaphore_mem>>) src(%dma_wait3A_45 : memref<80x128xf32, #tpu.memory_space<hbm>>) dst(%arg6 : memref<80x128xf32, #tpu.memory_space<vmem>>)
      "tpu.region"() ({
        %run_scoped3A_66 = tpu.sem_alloc : memref<!tpu.dma_semaphore, #tpu.memory_space<semaphore_mem>>
        %dma_start3A_67 = arith.constant 0 : i32
        %dma_start3A_68 = tpu.memref_slice %arg8[%mul3A_29, %dma_start3A_67] : memref<125x80xi32, #tpu.memory_space<vmem>> -> memref<1x80xi32, #tpu.memory_space<vmem>>
        %dma_start3A_69 = tpu.memref_squeeze %dma_start3A_68 : memref<1x80xi32, #tpu.memory_space<vmem>> -> memref<80xi32, #tpu.memory_space<vmem>>
        %dma_start3A_70 = arith.constant 0 : i32
        %dma_start3A_71 = arith.constant 0 : i32
        %dma_start3A_72 = tpu.memref_slice %arg9[%dma_start3A_70, %dma_start3A_71] : memref<10240x128xf32, #tpu.memory_space<vmem_shared>> -> memref<10240x128xf32, #tpu.memory_space<vmem_shared>>
        tpu.enqueue_indirect_dma source(%arg6 : memref<80x128xf32, #tpu.memory_space<vmem>>) target(%dma_start3A_72 : memref<10240x128xf32, #tpu.memory_space<vmem_shared>>) offsets(%dma_start3A_69 : memref<80xi32, #tpu.memory_space<vmem>>) semaphore(%run_scoped3A_66 : memref<!tpu.dma_semaphore, #tpu.memory_space<semaphore_mem>>) {add = true}
        %dma_wait3A_73 = arith.constant 0 : i32
        %dma_wait3A_74 = tpu.memref_slice %arg8[%mul3A_29, %dma_wait3A_73] : memref<125x80xi32, #tpu.memory_space<vmem>> -> memref<1x80xi32, #tpu.memory_space<vmem>>
        %dma_wait3A_75 = tpu.memref_squeeze %dma_wait3A_74 : memref<1x80xi32, #tpu.memory_space<vmem>> -> memref<80xi32, #tpu.memory_space<vmem>>
        %dma_wait3A_76 = arith.constant 0 : i32
        %dma_wait3A_77 = arith.constant 0 : i32
        %dma_wait3A_78 = tpu.memref_slice %arg9[%dma_wait3A_76, %dma_wait3A_77] : memref<10240x128xf32, #tpu.memory_space<vmem_shared>> -> memref<10240x128xf32, #tpu.memory_space<vmem_shared>>
        tpu.wait_indirect_dma semaphore(%run_scoped3A_66 : memref<!tpu.dma_semaphore, #tpu.memory_space<semaphore_mem>>) src(%arg6 : memref<80x128xf32, #tpu.memory_space<vmem>>) dst(%dma_wait3A_78 : memref<10240x128xf32, #tpu.memory_space<vmem_shared>>)
        tpu.yield
      }) : () -> ()
      %add3A_46 = arith.constant 2 : i32
      %add3A_47 = arith.addi %mul3A_29, %add3A_46 : i32
      %mul3A_48 = arith.constant 80 : i32
      %mul3A_49 = arith.muli %add3A_47, %mul3A_48 : i32
      %add3A_50 = arith.addi %mul3A_2, %mul3A_49 : i32
      %dma_start3A_51 = arith.constant 0 : i32
      %dma_start3A_52 = tpu.memref_slice %arg2[%add3A_50, %dma_start3A_51] : memref<320000x128xf32, #tpu.memory_space<hbm>> -> memref<80x128xf32, #tpu.memory_space<hbm>>
      %dma_start3A_53 = arith.constant 0 : i32
      %dma_start3A_54 = tpu.memref_slice %arg2[%add3A_50, %dma_start3A_53] : memref<320000x128xf32, #tpu.memory_space<hbm>> -> memref<80x128xf32, #tpu.memory_space<hbm>>
      tpu.enqueue_dma source(%dma_start3A_54 : memref<80x128xf32, #tpu.memory_space<hbm>>) target(%arg6 : memref<80x128xf32, #tpu.memory_space<vmem>>) target_semaphore(%arg10 : memref<!tpu.dma_semaphore, #tpu.memory_space<semaphore_mem>>)
      %add3A_55 = arith.constant 1 : i32
      %add3A_56 = arith.addi %mul3A_29, %add3A_55 : i32
      %mul3A_57 = arith.constant 80 : i32
      %mul3A_58 = arith.muli %add3A_56, %mul3A_57 : i32
      %add3A_59 = arith.addi %mul3A_2, %mul3A_58 : i32
      %dma_wait3A_60 = arith.constant 0 : i32
      %dma_wait3A_61 = tpu.memref_slice %arg2[%add3A_59, %dma_wait3A_60] : memref<320000x128xf32, #tpu.memory_space<hbm>> -> memref<80x128xf32, #tpu.memory_space<hbm>>
      %dma_wait3A_62 = arith.constant 0 : i32
      %dma_wait3A_63 = tpu.memref_slice %arg2[%add3A_59, %dma_wait3A_62] : memref<320000x128xf32, #tpu.memory_space<hbm>> -> memref<80x128xf32, #tpu.memory_space<hbm>>
      tpu.wait_dma2 semaphore(%arg11 : memref<!tpu.dma_semaphore, #tpu.memory_space<semaphore_mem>>) src(%dma_wait3A_63 : memref<80x128xf32, #tpu.memory_space<hbm>>) dst(%arg7 : memref<80x128xf32, #tpu.memory_space<vmem>>)
      %add3A_64 = arith.constant 1 : i32
      %add3A_65 = arith.addi %mul3A_29, %add3A_64 : i32
      "tpu.region"() ({
        %run_scoped3A_66 = tpu.sem_alloc : memref<!tpu.dma_semaphore, #tpu.memory_space<semaphore_mem>>
        %dma_start3A_67 = arith.constant 0 : i32
        %dma_start3A_68 = tpu.memref_slice %arg8[%add3A_65, %dma_start3A_67] : memref<125x80xi32, #tpu.memory_space<vmem>> -> memref<1x80xi32, #tpu.memory_space<vmem>>
        %dma_start3A_69 = tpu.memref_squeeze %dma_start3A_68 : memref<1x80xi32, #tpu.memory_space<vmem>> -> memref<80xi32, #tpu.memory_space<vmem>>
        %dma_start3A_70 = arith.constant 0 : i32
        %dma_start3A_71 = arith.constant 0 : i32
        %dma_start3A_72 = tpu.memref_slice %arg9[%dma_start3A_70, %dma_start3A_71] : memref<10240x128xf32, #tpu.memory_space<vmem_shared>> -> memref<10240x128xf32, #tpu.memory_space<vmem_shared>>
        tpu.enqueue_indirect_dma source(%arg7 : memref<80x128xf32, #tpu.memory_space<vmem>>) target(%dma_start3A_72 : memref<10240x128xf32, #tpu.memory_space<vmem_shared>>) offsets(%dma_start3A_69 : memref<80xi32, #tpu.memory_space<vmem>>) semaphore(%run_scoped3A_66 : memref<!tpu.dma_semaphore, #tpu.memory_space<semaphore_mem>>) {add = true}
        %dma_wait3A_73 = arith.constant 0 : i32
        %dma_wait3A_74 = tpu.memref_slice %arg8[%add3A_65, %dma_wait3A_73] : memref<125x80xi32, #tpu.memory_space<vmem>> -> memref<1x80xi32, #tpu.memory_space<vmem>>
        %dma_wait3A_75 = tpu.memref_squeeze %dma_wait3A_74 : memref<1x80xi32, #tpu.memory_space<vmem>> -> memref<80xi32, #tpu.memory_space<vmem>>
        %dma_wait3A_76 = arith.constant 0 : i32
        %dma_wait3A_77 = arith.constant 0 : i32
        %dma_wait3A_78 = tpu.memref_slice %arg9[%dma_wait3A_76, %dma_wait3A_77] : memref<10240x128xf32, #tpu.memory_space<vmem_shared>> -> memref<10240x128xf32, #tpu.memory_space<vmem_shared>>
        tpu.wait_indirect_dma semaphore(%run_scoped3A_66 : memref<!tpu.dma_semaphore, #tpu.memory_space<semaphore_mem>>) src(%arg7 : memref<80x128xf32, #tpu.memory_space<vmem>>) dst(%dma_wait3A_78 : memref<10240x128xf32, #tpu.memory_space<vmem_shared>>)
        tpu.yield
      }) : () -> ()
    }
    %scan3A_16 = arith.constant 62 : i32
    %add3A_17 = arith.constant 9920 : i32
    %add3A_18 = arith.addi %mul3A_2, %add3A_17 : i32
    %dma_wait3A = arith.constant 0 : i32
    %dma_wait3A_19 = tpu.memref_slice %arg2[%add3A_18, %dma_wait3A] : memref<320000x128xf32, #tpu.memory_space<hbm>> -> memref<80x128xf32, #tpu.memory_space<hbm>>
    %dma_wait3A_20 = arith.constant 0 : i32
    %dma_wait3A_21 = tpu.memref_slice %arg2[%add3A_18, %dma_wait3A_20] : memref<320000x128xf32, #tpu.memory_space<hbm>> -> memref<80x128xf32, #tpu.memory_space<hbm>>
    tpu.wait_dma2 semaphore(%arg10 : memref<!tpu.dma_semaphore, #tpu.memory_space<semaphore_mem>>) src(%dma_wait3A_21 : memref<80x128xf32, #tpu.memory_space<hbm>>) dst(%arg6 : memref<80x128xf32, #tpu.memory_space<vmem>>)
    %run_scoped3A = arith.constant 124 : i32
    "tpu.region"() ({
      %run_scoped3A_27 = tpu.sem_alloc : memref<!tpu.dma_semaphore, #tpu.memory_space<semaphore_mem>>
      %dma_start3A_28 = arith.constant 0 : i32
      %dma_start3A_29 = tpu.memref_slice %arg8[%run_scoped3A, %dma_start3A_28] : memref<125x80xi32, #tpu.memory_space<vmem>> -> memref<1x80xi32, #tpu.memory_space<vmem>>
      %dma_start3A_30 = tpu.memref_squeeze %dma_start3A_29 : memref<1x80xi32, #tpu.memory_space<vmem>> -> memref<80xi32, #tpu.memory_space<vmem>>
      %dma_start3A_31 = arith.constant 0 : i32
      %dma_start3A_32 = arith.constant 0 : i32
      %dma_start3A_33 = tpu.memref_slice %arg9[%dma_start3A_31, %dma_start3A_32] : memref<10240x128xf32, #tpu.memory_space<vmem_shared>> -> memref<10240x128xf32, #tpu.memory_space<vmem_shared>>
      tpu.enqueue_indirect_dma source(%arg6 : memref<80x128xf32, #tpu.memory_space<vmem>>) target(%dma_start3A_33 : memref<10240x128xf32, #tpu.memory_space<vmem_shared>>) offsets(%dma_start3A_30 : memref<80xi32, #tpu.memory_space<vmem>>) semaphore(%run_scoped3A_27 : memref<!tpu.dma_semaphore, #tpu.memory_space<semaphore_mem>>) {add = true}
      %dma_wait3A_34 = arith.constant 0 : i32
      %dma_wait3A_35 = tpu.memref_slice %arg8[%run_scoped3A, %dma_wait3A_34] : memref<125x80xi32, #tpu.memory_space<vmem>> -> memref<1x80xi32, #tpu.memory_space<vmem>>
      %dma_wait3A_36 = tpu.memref_squeeze %dma_wait3A_35 : memref<1x80xi32, #tpu.memory_space<vmem>> -> memref<80xi32, #tpu.memory_space<vmem>>
      %dma_wait3A_37 = arith.constant 0 : i32
      %dma_wait3A_38 = arith.constant 0 : i32
      %dma_wait3A_39 = tpu.memref_slice %arg9[%dma_wait3A_37, %dma_wait3A_38] : memref<10240x128xf32, #tpu.memory_space<vmem_shared>> -> memref<10240x128xf32, #tpu.memory_space<vmem_shared>>
      tpu.wait_indirect_dma semaphore(%run_scoped3A_27 : memref<!tpu.dma_semaphore, #tpu.memory_space<semaphore_mem>>) src(%arg6 : memref<80x128xf32, #tpu.memory_space<vmem>>) dst(%dma_wait3A_39 : memref<10240x128xf32, #tpu.memory_space<vmem_shared>>)
      tpu.yield
    }) : () -> ()
    %barrier3A_22 = arith.constant 0 : index
    tpu.barrier barrier_id(%barrier3A_22)
    %mul3A_23 = arith.constant 640 : i32
    %mul3A_24 = arith.muli %arg1, %mul3A_23 : i32
    %mul3A_25 = arith.constant 640 : i32
    %mul3A_26 = arith.muli %arg1, %mul3A_25 : i32
    "tpu.region"() ({
      %run_scoped3A_27 = tpu.sem_alloc : memref<!tpu.dma_semaphore, #tpu.memory_space<semaphore_mem>>
      %dma_start3A_28 = arith.constant 0 : i32
      %dma_start3A_29 = tpu.memref_slice %arg5[%arg0, %mul3A_26, %dma_start3A_28] : memref<2x10240x128xf32, #tpu.memory_space<hbm>> -> memref<1x640x128xf32, #tpu.memory_space<hbm>>
      %dma_start3A_30 = tpu.memref_squeeze %dma_start3A_29 : memref<1x640x128xf32, #tpu.memory_space<hbm>> -> memref<640x128xf32, #tpu.memory_space<hbm>>
      %dma_start3A_31 = arith.constant 0 : i32
      %dma_start3A_32 = tpu.memref_slice %arg9[%mul3A_24, %dma_start3A_31] : memref<10240x128xf32, #tpu.memory_space<vmem_shared>> -> memref<640x128xf32, #tpu.memory_space<vmem_shared>>
      tpu.enqueue_dma source(%dma_start3A_32 : memref<640x128xf32, #tpu.memory_space<vmem_shared>>) target(%dma_start3A_30 : memref<640x128xf32, #tpu.memory_space<hbm>>) target_semaphore(%run_scoped3A_27 : memref<!tpu.dma_semaphore, #tpu.memory_space<semaphore_mem>>)
      %dma_wait3A_33 = arith.constant 0 : i32
      %dma_wait3A_34 = tpu.memref_slice %arg5[%arg0, %mul3A_26, %dma_wait3A_33] : memref<2x10240x128xf32, #tpu.memory_space<hbm>> -> memref<1x640x128xf32, #tpu.memory_space<hbm>>
      %dma_wait3A_35 = tpu.memref_squeeze %dma_wait3A_34 : memref<1x640x128xf32, #tpu.memory_space<hbm>> -> memref<640x128xf32, #tpu.memory_space<hbm>>
      %dma_wait3A_36 = arith.constant 0 : i32
      %dma_wait3A_37 = tpu.memref_slice %arg9[%mul3A_24, %dma_wait3A_36] : memref<10240x128xf32, #tpu.memory_space<vmem_shared>> -> memref<640x128xf32, #tpu.memory_space<vmem_shared>>
      tpu.wait_dma2 semaphore(%run_scoped3A_27 : memref<!tpu.dma_semaphore, #tpu.memory_space<semaphore_mem>>) src(%dma_wait3A_37 : memref<640x128xf32, #tpu.memory_space<vmem_shared>>) dst(%dma_wait3A_35 : memref<640x128xf32, #tpu.memory_space<hbm>>)
      tpu.yield
    }) : () -> ()
    return
  }
}

module attributes {stable_mosaic.version = 14 : i64} {
  func.func @body(%arg0: i32, %arg1: memref<1000x128xf32, #tpu.memory_space<vmem>>, %arg2: memref<1000x128xf32, #tpu.memory_space<vmem>>, %arg3: memref<1000x128xf32, #tpu.memory_space<vmem>>) attributes {dimension_semantics = [#tpu.dimension_semantics<arbitrary>], iteration_bounds = array<i64: 10>, scalar_prefetch = 0 : i64, scratch_operands = 0 : i64, tpu.core_type = #tpu.core_type<tc>, window_params = [{transform_indices = @transform_0, window_bounds = array<i64: 1000, 128>}, {transform_indices = @transform_1, window_bounds = array<i64: 1000, 128>}, {transform_indices = @transform_2, window_bounds = array<i64: 1000, 128>}]} {
    %get3A = arith.constant 0 : index
    %get3A_0 = arith.constant 0 : index
    %get3A_1 = vector.load %arg1[%get3A, %get3A_0] : memref<1000x128xf32, #tpu.memory_space<vmem>>, vector<1000x128xf32>
    %get3A_2 = arith.constant 0 : index
    %get3A_3 = arith.constant 0 : index
    %get3A_4 = vector.load %arg2[%get3A_2, %get3A_3] : memref<1000x128xf32, #tpu.memory_space<vmem>>, vector<1000x128xf32>
    %add3A = arith.addf %get3A_1, %get3A_4 : vector<1000x128xf32>
    %swap3A = arith.constant 0 : index
    %swap3A_5 = arith.constant 0 : index
    %swap3A_6 = vector.load %arg3[%swap3A, %swap3A_5] : memref<1000x128xf32, #tpu.memory_space<vmem>>, vector<1000x128xf32>
    tpu.vector_store %arg3[%swap3A, %swap3A_5], %add3A {strides = array<i32>} : memref<1000x128xf32, #tpu.memory_space<vmem>>, vector<1000x128xf32>,
    return
  }
  func.func @transform_0(%arg0: i32) -> (i32, i32) {
    %c0_i32 = arith.constant 0 : i32
    %c0_i32_0 = arith.constant 0 : i32
    return %arg0, %c0_i32 : i32, i32
  }
  func.func @transform_1(%arg0: i32) -> (i32, i32) {
    %c0_i32 = arith.constant 0 : i32
    %c0_i32_0 = arith.constant 0 : i32
    return %arg0, %c0_i32 : i32, i32
  }
  func.func @transform_2(%arg0: i32) -> (i32, i32) {
    %c0_i32 = arith.constant 0 : i32
    %c0_i32_0 = arith.constant 0 : i32
    return %arg0, %c0_i32 : i32, i32
  }
}

</mosaic_0001>

<sc_bundles>
// kernel: kernel.4.cloned.1.call-start
scs
__scs_entry_jumppad:
0x0: {  	(pc) =	sbr.rel $0x88, $3  }
0x1: {  	(tag) =	ssettag $0x0;
	lr =	simm.s32 $0x1  }
0x2: {  	[smem:$0x3F9F] =	sst lr;
	_ =	strace $0xD0000000  }
0x3: {  	_ = 	snop  }
0x4: {  	_ = 	snop  }
0x5: {  	_ = 	snop  }
0x6: {  	_ = 	snop  }
0x7: {  	_ = 	snop  }
__scs_overlays_trampoline_lowered:
0x8: {  	[smem:$0x3FAE] =	sst s0  }
0x9: {  	[smem:$0x3FAF] =	sst s1  }
0xa: {  	[smem:$0x3FB0] =	sst s2  }
0xb: {  	[smem:$0x3FB1] =	sst s3  }
0xc: {  	[smem:$0x3FB2] =	sst s4  }
0xd: {  	[smem:$0x3FB3] =	sst s5  }
0xe: {  	[smem:$0x3FB4] =	sst s6  }
0xf: {  	[smem:$0x3FB5] =	sst s7  }
0x10: {  	[smem:$0x3FB6] =	sst s8  }
0x11: {  	[smem:$0x3FB7] =	sst s9;
	s0 =	simm.s32 @!p0 $0x0  }
0x12: {  	s1 =	sld [smem:$0x3F9D];
	s0 =	simm.s32 @p0 $0x1  }
0x13: {  	[smem:$0x3FB8] =	sst s0;
	s0 =	simm.s32 @!p1 $0x0  }
0x14: {  	s2 =	sld [smem:$0x3F9C];
	s0 =	simm.s32 @p1 $0x1  }
0x15: {  	[smem:$0x3FB9] =	sst s0;
	s0 =	simm.s32 @!p2 $0x0  }
0x16: {  	s3 =	sld [smem:$0x3FDB];
	s0 =	simm.s32 @p2 $0x1  }
0x17: {  	s4 =	simm.s32 $0x1BF5;
	[smem:$0x3FBB] =	sst s0  }
0x18: {  	s0 =	sld [smem:$0x3F9E];
	_ =	swait.ge [sflag:s4], $0x0  }
0x19: {  	s7 =	sld [smem:$0x3F9F]  }
0x1a: {  	s8 =	sadd.s32 $0xFFFFE003, lr  }
0x1b: {  	s9 =	sadd.s32 $0xFFFFFEF7, lr;
	s5 =	simm.s32 $0xFFFFFFFF;
	p2 =	slt.u32 s8, $0xFFFFF086  }
0x1c: {  	p1 =	slt.u32 s9, $0xF7A;
	s5 =	simm.s32 @!p2 $0x0  }
0x1d: {  	s5 =	simm.s32 @p1 $0x1;
	p0 =	seq.s32 s7, s2  }
0x1e: {  	s7 =	smul.u32 @!p0 $0xF7A, s2;
	p2 =	seq.s32 @!p0 s5, $0x0  }
0x1f: {  	s9 =	smul.u32 $0xF7A, s1;
	s8 =	simm.s32 @!p0 $0x1BF5;
	p2 =	por !p2, p0  }
0x20: {  	[sflag:s8] =	ssyncset.s32 @!p0 $0xFFFFF086;
	s6 =	sadd.s32 @!p0 s3, s7;
	s7 =	simm.s32 @!p0 $0x108  }
0x21: {  	s3 =	sadd.s32 s3, s9;
	s6 =	sadd.s32 @!p0 $0x88, s6;
	s7 =	simm.s32 @p2 $0x1082  }
0x22: {  	[simem:s7], [sflag:s8] =	dma.local @!p0 [hbm:s6], $0xF7A  }
0x23: {  	s9 =	sor.u32 $0xD0000000, s2;
	s6 =	simm.s32 $0x108;
	_ =	swait.ge @!p0 [sflag:s8], $0x0  }
0x24: {  	s3 =	sadd.s32 $0x88, s3;
	s6 =	simm.s32 @!p1 $0x1082;
	[sflag:s4] =	ssyncset.s32 $0xFFFFF086  }
0x25: {  	[simem:s6], [sflag:s4] =	dma.local [hbm:s3], $0xF7A  }
0x26: {  	[smem:$0x3F9F] =	sst s1;
	(tag) =	ssettag s2;
	_ =	strace s9  }
0x27: {  	s1 =	sld [smem:$0x3FAF]  }
0x28: {  	s2 =	sld [smem:$0x3FB0]  }
0x29: {  	s4 =	sld [smem:$0x3FB2]  }
0x2a: {  	p0 =	seq.s32 s5, $0x0;
	s5 =	sld [smem:$0x3FB3]  }
0x2b: {  	s6 =	sld [smem:$0x3FB4]  }
0x2c: {  	s7 =	sld [smem:$0x3FB5]  }
0x2d: {  	s3 =	simm.s32 $0x108;
	s8 =	sld [smem:$0x3FB6]  }
0x2e: {  	s3 =	simm.s32 @!p0 $0x1082;
	s9 =	sld [smem:$0x3FB7]  }
0x2f: {  	lr =	sadd.s32 s0, s3;
	s0 =	sld [smem:$0x3FAE]  }
0x30: {  	s3 =	sld [smem:$0x3FB1]  }
0x31: {  	[smem:$0x3FBA] =	sst s10  }
0x32: {  	s10 =	sld [smem:$0x3FB8];
	_ =	sdelay $0x3  }
0x33: {  	p0 =	seq.s32 s10, $0x1;
	s10 =	sld [smem:$0x3FBA];
	_ =	sdelay $0x3  }
0x34: {  	[smem:$0x3FBA] =	sst s10  }
0x35: {  	s10 =	sld [smem:$0x3FB9];
	_ =	sdelay $0x3  }
0x36: {  	p1 =	seq.s32 s10, $0x1;
	s10 =	sld [smem:$0x3FBA];
	_ =	sdelay $0x3  }
0x37: {  	[smem:$0x3FBA] =	sst s10  }
0x38: {  	s10 =	sld [smem:$0x3FBB]  }
0x39: {  	_ = 	snop;
	(pc) =	sbr.ind lr, $3  }
0x3a: {  	_ = 	snop  }
0x3b: {  	_ = 	snop  }
0x3c: {  	p2 =	seq.s32 s10, $0x1;
	s10 =	sld [smem:$0x3FBA]  }
0x3d: {  	_ =	shalt  }
0x3e: {  	_ =	shalt  }
0x3f: {  	_ =	shalt  }
0x40: {  	_ =	shalt  }
0x41: {  	_ =	shalt  }
0x42: {  	_ =	shalt  }
0x43: {  	_ =	shalt  }
0x44: {  	_ =	shalt  }
0x45: {  	_ =	shalt  }
0x46: {  	_ =	shalt  }
0x47: {  	_ =	shalt  }
0x48: {  	_ =	shalt  }
0x49: {  	_ =	shalt  }
0x4a: {  	_ =	shalt  }
0x4b: {  	_ =	shalt  }
0x4c: {  	_ =	shalt  }
0x4d: {  	_ =	shalt  }
0x4e: {  	_ =	shalt  }
0x4f: {  	_ =	shalt  }
0x50: {  	_ =	shalt  }
0x51: {  	_ =	shalt  }
0x52: {  	_ =	shalt  }
0x53: {  	_ =	shalt  }
0x54: {  	_ =	shalt  }
0x55: {  	_ =	shalt  }
0x56: {  	_ =	shalt  }
0x57: {  	_ =	shalt  }
0x58: {  	_ =	shalt  }
0x59: {  	_ =	shalt  }
0x5a: {  	_ =	shalt  }
0x5b: {  	_ =	shalt  }
0x5c: {  	_ =	shalt  }
0x5d: {  	_ =	shalt  }
0x5e: {  	_ =	shalt  }
0x5f: {  	_ =	shalt  }
0x60: {  	_ =	shalt  }
0x61: {  	_ =	shalt  }
0x62: {  	_ =	shalt  }
0x63: {  	_ =	shalt  }
0x64: {  	_ =	shalt  }
0x65: {  	_ =	shalt  }
0x66: {  	_ =	shalt  }
0x67: {  	_ =	shalt  }
0x68: {  	_ =	shalt  }
0x69: {  	_ =	shalt  }
0x6a: {  	_ =	shalt  }
0x6b: {  	_ =	shalt  }
0x6c: {  	_ =	shalt  }
0x6d: {  	_ =	shalt  }
0x6e: {  	_ =	shalt  }
0x6f: {  	_ =	shalt  }
0x70: {  	_ =	shalt  }
0x71: {  	_ =	shalt  }
0x72: {  	_ =	shalt  }
0x73: {  	_ =	shalt  }
0x74: {  	_ =	shalt  }
0x75: {  	_ =	shalt  }
0x76: {  	_ =	shalt  }
0x77: {  	_ =	shalt  }
0x78: {  	_ =	shalt  }
0x79: {  	_ =	shalt  }
0x7a: {  	_ =	shalt  }
0x7b: {  	_ =	shalt  }
0x7c: {  	_ =	shalt  }
0x7d: {  	_ =	shalt  }
0x7e: {  	_ =	shalt  }
0x7f: {  	_ =	shalt  }
0x80: {  	_ =	shalt  }
0x81: {  	_ =	shalt  }
0x82: {  	_ =	shalt  }
0x83: {  	_ =	shalt  }
0x84: {  	_ =	shalt  }
0x85: {  	_ =	shalt  }
0x86: {  	_ =	shalt  }
0x87: {  	_ =	shalt  }
.Lfunc_end0:
.L_simem_size_0:
called_computation_lowered:
.L_overlay_start_0:
0x88: {  	s2 =	sld [smem:$0x3FD9]  }
0x89: {  	s3 =	sld [smem:$0x3FFE];
	_ =	sdelay $0x1  }
0x8a: {  	s1 =	srdreg.scid  }
0x8b: {  	s0 =	sand.u32 $0x1, s1  }
0x8c: {  	s17 =	sshll.u32 s0, $0xA;
	s2 =	sadd.s32 s3, s2  }
0x8d: {  	s2 =	sadd.s32 s2, s17  }
0x8e: {  	[smem:$0x3FC6] =	sst s2  }
0x8f: {  	_ = 	snop  }
0x90: {  	s2 =	sld [smem:$0x3FC9]  }
0x91: {  	s18 =	sld [smem:$0x3FD0];
	(tm) =	ssettm $0x1  }
0x92: {  	s4 =	sld [smem:$0x3FFB];
	_ =	sdelay $0x3  }
0x93: {  	_ =	strace s4  }
0x94: {  	s4 =	sld [smem:$0x3FFC];
	_ =	sdelay $0x3  }
0x95: {  	_ =	strace s4  }
0x96: {  	s4 =	sld [smem:$0x3FFD];
	_ =	sdelay $0x3  }
0x97: {  	_ =	strace s4  }
0x98: {  	_ =	strace $0x8FFFFFFF  }
0x99: {  	s19 =	sld [smem:$0x3FDB];
	_ =	sdelay $0x1  }
0x9a: {  	s5 =	simm.s32 $_scs_section_size  }
0x9b: {  	s6 =	simm.s32 $_size__tile_overlayer_lowered;
	s7 =	simm.s32 $_tile_overlayer_lowered  }
0x9c: {  	s22 =	simm.s32 $0x1BFF;
	s21 =	sshll.u32 s7, $0x1;
	s4 =	sadd.s32 s5, s19  }
0x9d: {  	s8 =	simm.s32 $0x0;
	s20 =	sshll.u32 s6, $0x1;
	s6 =	sadd.s32 s21, s4  }
0x9e: {  	[timem:s8], [sflag:s22] =	dma.local [hbm:s6], s20  }
0x9f: {  	_ =	swait.ge [sflag:s22], s20  }
0xa0: {  	s5 =	ssub.s32 $0x0, s20;
	[sflag:s22] =	ssyncset.done $0x0  }
0xa1: {  	[sflag:s22] =	ssyncadd.s32 s5;
	_ =	sdelay $0x1  }
0xa2: {  	s23 =	simm.s32 $0x1B8B  }
0xa3: {  	_ =	swait.ge [sflag:s23], $0x1  }
0xa4: {  	[sflag:s23] =	ssyncset.done $0x0  }
0xa5: {  	s25 =	simm.s32 $0x1B8E;
	s24 =	sld [smem:$0x3FFE];
	[sflag:s23] =	ssyncadd.s32 $0xFFFFFFFF  }
0xa6: {  	s26 =	simm.s32 $execute0_lowered;
	[smem:$0x3FD2] =	sst s25  }
0xa7: {  	s6 =	sshll.u32 s26, $0x1;
	_ =	strace $0x80000046;
	[dreg:$0x1] =	wrdreg $0xFFFFFFFF  }
0xa8: {  	s28 =	simm.s32 $_size_execute0_lowered;
	s4 =	sadd.s32 s4, s6;
	[dreg:$0x0] =	wrdreg $0x0  }
0xa9: {  	s6 =	sshll.u32 s28, $0x1;
	[dreg:$0x2] =	wrdreg s4  }
0xaa: {  	[dreg:$0x3] =	wrdreg s6  }
0xab: {  	[dreg:$0x4] =	wrdreg $0xC0  }
0xac: {  	_ =	task [dreg:s8], $0x5FFFF  }
0xad: {  	[dreg:$0x1] =	wrdreg $0xFFFFFFFF  }
0xae: {  	[dreg:$0x0] =	wrdreg $0x60  }
0xaf: {  	[dreg:$0x2] =	wrdreg s2  }
0xb0: {  	[dreg:$0x3] =	wrdreg s18  }
0xb1: {  	[dreg:$0x4] =	wrdreg s24  }
0xb2: {  	[dreg:$0x5] =	wrdreg $0x90000  }
0xb3: {  	[dreg:$0x6] =	wrdreg $0x9  }
0xb4: {  	_ =	task.clear_ibuf [dreg:s8], $0x7FFFF;
	_ =	strace $0x90000046  }
0xb5: {  	s29 =	simm.s32 $0x9;
	_ =	strace $0x80000048  }
0xb6: {  	_ =	swait.ge [sflag:s29], $0x1  }
0xb7: {  	[sflag:s29] =	ssyncadd.s32 $0xFFFFFFFF  }
0xb8: {  	_ =	strace $0x90000048  }
0xb9: {  	_ =	sfence  }
0xba: {  	s30 =	sld [smem:$0x0];
	_ =	sdelay $0x2  }
0xbb: {  	s31 =	sshll.u32 s1, $0xD;
	s1 =	sshrl.u32 s1, $0x2  }
0xbc: {  	s3 =	sand.u32 $0x4000, s31;
	s1 =	sadd.s32 s1, s30  }
0xbd: {  	s0 =	sor.u32 s3, s0;
	s1 =	sshll.u32 s1, $0x11  }
0xbe: {  	s0 =	sor.u32 s1, s0  }
0xbf: {  	s0 =	sadd.s32 $0x8F2B, s0  }
0xc0: {  	[sflag:s0] =	ssyncadd.remote.s32 $0x1  }
0xc1: {  	_ =	sfence.sel $0xFFFF  }
0xc2: {  	[dreg:$0x0] =	wrdreg $0xFFFFFFFF;
	(pc) =	sbr.abs _section_cstart, $3  }
0xc3: {  	[dreg:$0x1] =	wrdreg $0xFFFFFFFF  }
0xc4: {  	_ =	task.clear_ibuf [dreg:s8], $0x2FFFF;
	_ =	strace $0x9FFFFFFF  }
0xc5: {  	(tm) =	ssettm $0x7FFFFFFF  }
tec
execute0_lowered:
.L_overlay_start_1:
0x0: {  	(tag) =	ssettag $0x1  }
0x1: {  	s7 =	rddreg [dreg:$0x0]  }
0x2: {  	s4 =	rddreg [dreg:$0x1]  }
0x3: {  	s5 =	rddreg [dreg:$0x2];
	s0 =	stileid.u32  }
0x4: {  	s1 =	srdreg.scid;
	s2 =	rddreg [dreg:$0x3];
	s3 =	simm.s32 $0x0  }
0x5: {  	s15 =	simm.s32 $0x1;
	s16 =	simm.s32 $0x50;
	s17 =	simm.s32 $0x2  }
0x6: {  	s18 =	simm.s32 $0x8E00;
	s19 =	simm.s32 $0x0;
	s6 =	smul.u32 $0x14000, s0  }
0x7: {  	s8 =	sand.u32 $0x1, s1;
	s1 =	rddreg [dreg:$0x4];
	s13 =	smul.u32 $0x50000, s0  }
0x8: {  	[smem:$0x7FF] =	sst s3;
	s11 =	sshll.u32 s0, $0x1;
	s26 =	smul.u32 $0x4E200, s0  }
0x9: {  	s31 =	sshll.u32 s0, $0x6;
	s9 =	smul.u32 $0x140000, s8;
	_ =	strace $0x80000047  }
0xa: {  	s22 =	ssub.s32 $0x2, s8;
	s11 =	sor.u32 s8, s11;
	s28 =	smul.u32 $0x27100, s8  }
0xb: {  	s10 =	sshrl.u32 s6, $0x3;
	s12 =	sshrl.u32 s22, $0x1;
	s23 =	smul.u32 $0x27100, s11  }
0xc: {  	s24 =	sshll.u32 s11, $0xB;
	s25 =	sshrl.u32 s13, $0x2;
	s29 =	sadd.s32 s26, s7  }
0xd: {  	s11 =	simm.s32 $0x3;
	s10 =	sadd.s32 s10, s5;
	s6 =	sadd.s32 s6, s9  }
0xe: {  	s9 =	ssub.s32 s22, s12;
	s4 =	sadd.s32 s4, s24;
	s13 =	sadd.s32 s25, s2  }
0xf: {  	s30 =	sadd.s32 s28, s29;
	s12 =	sor.u32 $0x1C03, s31;
	s6 =	sshrl.u32 s6, $0x3  }
0x10: {  	s8 =	smax.u32 s9, $0x1;
	s9 =	sadd.s32 $0xA00, s30;
	s13 =	sshrl.u32 s13, $0x3  }
0x11: {  	s14 =	sadd.s32 s6, s5;
	s5 =	sadd.s32 $0x600, s10;
	s6 =	sadd.s32 s7, s23  }
0x12: {  	s10 =	simm.s32 $0x5000;
	s7 =	sadd.s32 $0x28600, s14;
	s14 =	simm.s32 $0x2800  }
.LBB2_1:
0x13: {  	[tilespmem:s10], [sflag:$0x3] =	stream.linear.gather [hbm4b:s4+s3], $0x3E80, $0x38;
	[tilespmem:$0x1D000] =	vst v63  }
0x14: {  	_ =	swait.ge [sflag:s11], $0x3E80  }
0x15: {  	[sflag:s11] =	ssyncset.done $0x0  }
0x16: {  	[sflag:s11] =	ssyncadd.s32 $0xFFFFC180  }
0x17: {  	[spmem:s13], [sflag:s12] =	dma.local [hbm:s5], $0x2800  }
0x18: {  	_ =	swait.ge [sflag:s11], $0x2800  }
0x19: {  	[sflag:s11] =	ssyncset.done $0x0  }
0x1a: {  	[sflag:s11] =	ssyncadd.s32 $0xFFFFD800  }
0x1b: {  	[bflag:$0x0] =	sbarrier.arrive $0xFFFF  }
0x1c: {  	[tilespmem:s3], [sflag:$0x1] =	stream.linear.gather [hbm4b:s6+s3], $0x2800, $0x38;
	[tilespmem:$0x1D000] =	vst v63  }
0x1d: {  	s20 =	sadd.s32 $0xFFFFFB00, s9  }
0x1e: {  	[tilespmem:s14], [sflag:$0x2] =	stream.linear.gather [hbm4b:s20+s3], $0x2800, $0x38;
	[tilespmem:$0x1D000] =	vst v63  }
0x1f: {  	_ =	swait.ge [sflag:s15], $0x2800  }
0x20: {  	[sflag:s15] =	ssyncset.done $0x0  }
0x21: {  	s30 =	simm.s32 $0x5000;
	[sflag:s15] =	ssyncadd.s32 $0xFFFFD800  }
0x22: {  	[spmem:s2] =	stream.indirect.scatter.add.f32 [tilespmem:s3], [sflag:$0x3], $0x80, s30, s16, $0xb8;
	[tilespmem:$0x1D000] =	vst v63  }
0x23: {  	_ =	swait.ge [sflag:s11], $0x2800  }
0x24: {  	[sflag:s11] =	ssyncset.done $0x0  }
0x25: {  	[sflag:s11] =	ssyncadd.s32 $0xFFFFD800  }
0x26: {  	[tilespmem:s3], [sflag:$0x1] =	stream.linear.gather [hbm4b:s9+s3], $0x2800, $0x38;
	[tilespmem:$0x1D000] =	vst v63  }
0x27: {  	_ =	swait.ge [sflag:s17], $0x2800  }
0x28: {  	[sflag:s17] =	ssyncset.done $0x0  }
0x29: {  	s31 =	simm.s32 $0x5080;
	[sflag:s17] =	ssyncadd.s32 $0xFFFFD800  }
0x2a: {  	[spmem:s2] =	stream.indirect.scatter.add.f32 [tilespmem:s14], [sflag:$0x3], $0x80, s31, s16, $0xb8;
	[tilespmem:$0x1D000] =	vst v63  }
0x2b: {  	s21 =	simm.s32 $0x400;
	_ =	swait.ge [sflag:s11], $0x2800  }
0x2c: {  	s22 =	simm.s32 $0x800;
	s20 =	sadd.s32 $0xA00, s9;
	[sflag:s11] =	ssyncset.done $0x0  }
.LBB2_2:
0x2d: {  	p0 =	sne.s32 s22, $0xF400;
	s23 =	sadd.s32 $0xFFFFFB00, s20;
	[sflag:s11] =	ssyncadd.s32 $0xFFFFD800  }
0x2e: {  	[tilespmem:s14], [sflag:$0x2] =	stream.linear.gather [hbm4b:s23+s3], $0x2800, $0x38;
	[tilespmem:$0x1D000] =	vst v63  }
0x2f: {  	s23 =	smov.u32 s22;
	s22 =	sadd.s32 $0x400, s22;
	_ =	swait.ge [sflag:s15], $0x2800  }
0x30: {  	s24 =	sshra.s32 s21, $0x2;
	s21 =	smov.u32 s23;
	[sflag:s15] =	ssyncset.done $0x0  }
0x31: {  	s23 =	sadd.s32 $0x5000, s24;
	[sflag:s15] =	ssyncadd.s32 $0xFFFFD800  }
0x32: {  	[spmem:s2] =	stream.indirect.scatter.add.f32 [tilespmem:s3], [sflag:$0x3], $0x80, s23, s16, $0xb8;
	[tilespmem:$0x1D000] =	vst v63  }
0x33: {  	_ =	swait.ge [sflag:s11], $0x2800  }
0x34: {  	[sflag:s11] =	ssyncset.done $0x0  }
0x35: {  	[sflag:s11] =	ssyncadd.s32 $0xFFFFD800  }
0x36: {  	[tilespmem:s3], [sflag:$0x1] =	stream.linear.gather [hbm4b:s20+s3], $0x2800, $0x38;
	[tilespmem:$0x1D000] =	vst v63  }
0x37: {  	_ =	swait.ge [sflag:s17], $0x2800  }
.Ltmp0:
0x38: {  	[sflag:s17] =	ssyncset.done $0x0;
	(pc) =	sbr.rel @p0 .LBB2_2-.Ltmp0, $4  }
0x39: {  	s23 =	sadd.s32 $0x5080, s24;
	[sflag:s17] =	ssyncadd.s32 $0xFFFFD800  }
0x3a: {  	[spmem:s2] =	stream.indirect.scatter.add.f32 [tilespmem:s14], [sflag:$0x3], $0x80, s23, s16, $0xb8;
	[tilespmem:$0x1D000] =	vst v63  }
0x3b: {  	_ =	swait.ge [sflag:s11], $0x2800  }
0x3c: {  	s20 =	sadd.s32 $0xA00, s20;
	[sflag:s11] =	ssyncset.done $0x0  }
0x3d: {  	s22 =	sadd.s32 $0xFFFFFB00, s20;
	[sflag:s11] =	ssyncadd.s32 $0xFFFFD800  }
0x3e: {  	[tilespmem:s14], [sflag:$0x2] =	stream.linear.gather [hbm4b:s22+s3], $0x2800, $0x38;
	[tilespmem:$0x1D000] =	vst v63  }
0x3f: {  	_ =	swait.ge [sflag:s15], $0x2800  }
0x40: {  	s21 =	sshra.s32 s21, $0x2;
	[sflag:s15] =	ssyncset.done $0x0  }
0x41: {  	s30 =	sadd.s32 $0x5000, s21;
	[sflag:s15] =	ssyncadd.s32 $0xFFFFD800  }
0x42: {  	[spmem:s2] =	stream.indirect.scatter.add.f32 [tilespmem:s3], [sflag:$0x3], $0x80, s30, s16, $0xb8;
	[tilespmem:$0x1D000] =	vst v63  }
0x43: {  	_ =	swait.ge [sflag:s11], $0x2800  }
0x44: {  	[sflag:s11] =	ssyncset.done $0x0  }
0x45: {  	[sflag:s11] =	ssyncadd.s32 $0xFFFFD800  }
0x46: {  	[tilespmem:s3], [sflag:$0x1] =	stream.linear.gather [hbm4b:s20+s3], $0x2800, $0x38;
	[tilespmem:$0x1D000] =	vst v63  }
0x47: {  	_ =	swait.ge [sflag:s17], $0x2800  }
0x48: {  	[sflag:s17] =	ssyncset.done $0x0  }
0x49: {  	s31 =	sadd.s32 $0x5080, s21;
	[sflag:s17] =	ssyncadd.s32 $0xFFFFD800  }
0x4a: {  	[spmem:s2] =	stream.indirect.scatter.add.f32 [tilespmem:s14], [sflag:$0x3], $0x80, s31, s16, $0xb8;
	[tilespmem:$0x1D000] =	vst v63  }
0x4b: {  	_ =	swait.ge [sflag:s11], $0x2800  }
0x4c: {  	[sflag:s11] =	ssyncset.done $0x0  }
0x4d: {  	[sflag:s11] =	ssyncadd.s32 $0xFFFFD800  }
0x4e: {  	_ =	swait.ge [sflag:s15], $0x2800  }
0x4f: {  	[sflag:s15] =	ssyncset.done $0x0  }
0x50: {  	[sflag:s15] =	ssyncadd.s32 $0xFFFFD800  }
0x51: {  	[spmem:s2] =	stream.indirect.scatter.add.f32 [tilespmem:s3], [sflag:$0x3], $0x80, s18, s16, $0xb8;
	[tilespmem:$0x1D000] =	vst v63  }
0x52: {  	_ =	swait.ge [sflag:s11], $0x2800  }
0x53: {  	s19 =	sadd.s32 $0x1, s19;
	[sflag:s11] =	ssyncset.done $0x0  }
0x54: {  	p0 =	sne.s32 s19, s8;
	[sflag:s11] =	ssyncadd.s32 $0xFFFFD800  }
.Ltmp1:
0x55: {  	[bflag:$0x0] =	sbarrier.arrive $0xFFFF;
	(pc) =	sbr.rel @p0 .LBB2_1-.Ltmp1, $4  }
0x56: {  	[hbm:s7], [sflag:s12] =	dma.local [spmem:s13], $0x2800  }
0x57: {  	_ =	swait.ge [sflag:s11], $0x2800  }
0x58: {  	[sflag:s11] =	ssyncset.done $0x0  }
0x59: {  	[sflag:s11] =	ssyncadd.s32 $0xFFFFD800  }
0x5a: {  	_ =	sfence.sel $0x180000  }
0x5b: {  	[bflag:$0x0] =	sbarrier.arrive $0xFFFF  }
0x5c: {  	p0 =	sne.s32 s0, $0x0;
	_ =	strace $0x90000047  }
0x5d: {  	s0 =	sadd.s32 @!p0 $0x100000, s1;
	[bflag:$0x2] =	sbarrier.arrive $0xFFFF  }
0x5e: {  	[sflag:s0] =	ssyncadd.tile.s32 @!p0 $0x1;
	_ =	shalt  }
.Lfunc_end2:
_tile_overlayer_lowered:
.L_overlay_start_2:
0x5f: {  	(tag) =	ssettag $0x2  }
0x60: {  	s0 =	rddreg [dreg:$0x0];
	s2 =	stileid.u32  }
0x61: {  	s1 =	rddreg [dreg:$0x1];
	p0 =	sne.s32 s2, $0x0  }
0x62: {  	s3 =	rddreg [dreg:$0x2];
	[bflag:$0x3] =	sbarrier.arrive $0xFFFF;
	s2 =	simm.s32 @!p0 $0x1C03  }
0x63: {  	[timem:s3], [sflag:s2] =	dma.local @!p0 [hbm:s0], s1  }
0x64: {  	s0 =	simm.s32 @!p0 $0x3  }
0x65: {  	_ =	swait.ge @!p0 [sflag:s0], s1  }
0x66: {  	s1 =	ssub.s32 @!p0 $0x0, s1;
	[sflag:s0] =	ssyncset.done @!p0 $0x0  }
0x67: {  	[sflag:s0] =	ssyncadd.s32 @!p0 s1  }
0x68: {  	[bflag:$0x3] =	sbarrier.arrive $0xFFFF  }
0x69: {  	_ =	shalt  }

</sc_bundles>
